<compile_context>
chip_gen: v7x
topology: tpu7x:2x2x1
jax: 0.10.2.dev20260603
libtpu: 0.0.44.dev20260713+nightly
codegen_flags: <defaults>
</compile_context>

<pallas_src>
import functools

import jax
import jax.numpy as jnp
from jax import lax
from jax.experimental import pallas as pl
from jax.experimental.pallas import tpu as pltpu
from jax.experimental.pallas import tpu_sc as plsc

_NUM_TABLES = 4
_D = 128
_B = 204800
_NC = 2
_NS = 16
_NW = _NC * _NS
_B_PER_W = _B // _NW
_CHUNK = 128
_NCH = _B_PER_W // _CHUNK


def _body(v0, v1, v2, v3, w0, w1, w2, w3, out, r0, r1, s0, s1):
    wid = lax.axis_index("s") * _NC + lax.axis_index("c")
    base = wid * _B_PER_W
    rows = (r0, r1)
    ssem = (s0, s1)

    def issue(t, c, b):
        pltpu.async_copy(rows[b],
                         out.at[pl.ds(t * _B + base + c * _CHUNK, _CHUNK)],
                         ssem[b])

    def retire(b):
        pltpu.make_async_copy(rows[b], out.at[pl.ds(0, _CHUNK)],
                              ssem[b]).wait()

    for t in range(_NUM_TABLES):
        issue(t, 0, 0)

        def body(g, carry, t=t):
            issue(t, 2 * g + 1, 1)
            retire(0)
            issue(t, 2 * g + 2, 0)
            retire(1)
            return carry

        lax.fori_loop(0, (_NCH - 2) // 2, body, 0)
        issue(t, _NCH - 1, 1)
        retire(0)
        retire(1)


@functools.partial(
    pl.kernel,
    mesh=plsc.VectorSubcoreMesh(core_axis_name="c", subcore_axis_name="s"),
    out_type=jax.ShapeDtypeStruct((_NUM_TABLES * _B, _D), jnp.float32),
    scratch_types=[
        pltpu.VMEM((_CHUNK, _D), jnp.float32),
        pltpu.VMEM((_CHUNK, _D), jnp.float32),
        pltpu.SemaphoreType.DMA,
        pltpu.SemaphoreType.DMA,
    ],
)
def _diag(*refs):
    _body(*refs)


def kernel(values_0, values_1, values_2, values_3,
           weight_0, weight_1, weight_2, weight_3):
    return _diag(values_0, values_1, values_2, values_3,
                 weight_0, weight_1, weight_2, weight_3)

# --- scband reference (transcript-rebuilt; emitter-appended) ---
"""Pipeline reference for scband-grouped-embedding-57956288692250 (READ-ONLY COPY).

The authoritative reference and input builder live on the scoring server;
editing this copy changes nothing except your own understanding.
"""

import jax, jax.numpy as jnp
import numpy as np

NUM_TABLES = 4
NUM_EMBEDDINGS = 100000
EMBEDDING_DIM = 128
NUM_VALUES = 204800


def setup_inputs(seed: int = 0) -> dict:
    key = jax.random.key(seed)
    inp = {}
    bound = float(np.sqrt(1.0 / NUM_EMBEDDINGS))
    for i in range(NUM_TABLES):
        k_idx = jax.random.fold_in(key, i)
        inp[f"values_{i}"] = jax.random.randint(k_idx, (NUM_VALUES,), 0, NUM_EMBEDDINGS)
        k_w = jax.random.fold_in(key, 100 + i)
        inp[f"weight_{i}"] = jax.random.uniform(
            k_w, (NUM_EMBEDDINGS, EMBEDDING_DIM), minval=-bound, maxval=bound, dtype=jnp.float32
        )
    return inp


def reference(values_0, values_1, values_2, values_3, weight_0, weight_1, weight_2, weight_3):
    # GroupedEmbedding.forward: per-table nn.Embedding lookup on jagged values,
    # then concatenate all unpooled embeddings along dim 0.
    values = [values_0, values_1, values_2, values_3]
    weights = [weight_0, weight_1, weight_2, weight_3]
    unpooled = []
    for v, w in zip(values, weights):
        unpooled.append(jnp.take(w, v, axis=0))
    return jnp.concatenate(unpooled, axis=0)

if __name__ == "__main__":
    import jax
    _d = setup_inputs()
    print(jax.jit(kernel)(*tuple(_d.values())))

</pallas_src>

<mosaic_0001>
#map = affine_map<(d0, d1) -> (0)>
#map1 = affine_map<(d0, d1) -> (0, 0)>
module attributes {stable_mosaic.version = 14 : i64} {
  func.func @_diag(%arg0: i32, %arg1: i32, %arg2: memref<204800xi32, #tpu.memory_space<hbm>>, %arg3: memref<100000x128xf32, #tpu.memory_space<hbm>>, %arg4: memref<204800xi32, #tpu.memory_space<hbm>>, %arg5: memref<100000x128xf32, #tpu.memory_space<hbm>>, %arg6: memref<204800xi32, #tpu.memory_space<hbm>>, %arg7: memref<100000x128xf32, #tpu.memory_space<hbm>>, %arg8: memref<204800xi32, #tpu.memory_space<hbm>>, %arg9: memref<100000x128xf32, #tpu.memory_space<hbm>>, %arg10: memref<819200x128xf32, #tpu.memory_space<hbm>>, %arg11: memref<128x128xf32, #tpu.memory_space<vmem>>, %arg12: memref<128x128xf32, #tpu.memory_space<vmem>>, %arg13: memref<!tpu.dma_semaphore, #tpu.memory_space<semaphore_mem>>, %arg14: memref<!tpu.dma_semaphore, #tpu.memory_space<semaphore_mem>>) attributes {dimension_semantics = [#tpu.dimension_semantics<core_parallel>, #tpu.dimension_semantics<subcore_parallel>], iteration_bounds = array<i64: 2, 16>, scalar_prefetch = 0 : i64, scratch_operands = 4 : i64, tpu.core_type = #tpu.core_type<sc_vector_subcore>, window_params = [{transform_indices = #map}, {transform_indices = #map1}, {transform_indices = #map}, {transform_indices = #map1}, {transform_indices = #map}, {transform_indices = #map1}, {transform_indices = #map}, {transform_indices = #map1}, {transform_indices = #map1}]} {
    %mul3A = arith.constant 2 : i32
    %mul3A_0 = arith.muli %arg1, %mul3A : i32
    %add3A = arith.addi %mul3A_0, %arg0 : i32
    %mul3A_1 = arith.constant 6400 : i32
    %mul3A_2 = arith.muli %add3A, %mul3A_1 : i32
    %add3A_3 = arith.constant 0 : i32
    %add3A_4 = arith.addi %add3A_3, %mul3A_2 : i32
    %add3A_5 = arith.constant 0 : i32
    %add3A_6 = arith.addi %add3A_4, %add3A_5 : i32
    %dma_start3A = arith.constant 0 : i32
    %dma_start3A_7 = tpu.memref_slice %arg10[%add3A_6, %dma_start3A] : memref<819200x128xf32, #tpu.memory_space<hbm>> -> memref<128x128xf32, #tpu.memory_space<hbm>>
    %dma_start3A_8 = arith.constant 0 : i32
    %dma_start3A_9 = tpu.memref_slice %arg10[%add3A_6, %dma_start3A_8] : memref<819200x128xf32, #tpu.memory_space<hbm>> -> memref<128x128xf32, #tpu.memory_space<hbm>>
    tpu.enqueue_dma source(%arg11 : memref<128x128xf32, #tpu.memory_space<vmem>>) target(%dma_start3A_9 : memref<128x128xf32, #tpu.memory_space<hbm>>) target_semaphore(%arg13 : memref<!tpu.dma_semaphore, #tpu.memory_space<semaphore_mem>>)
    %scan3A = arith.constant 0 : i32
    %scan3A_10 = arith.constant 0 : i32
    %scan3A_11 = arith.constant 24 : i32
    %scan3A_12 = arith.addi %scan3A_10, %scan3A_11 : i32
    %scan3A_13 = arith.constant 1 : i32
    scf.for %scan3A_136 = %scan3A_10 to %scan3A_12 step %scan3A_13  : i32 {
      %mul3A_137 = arith.constant 2 : i32
      %mul3A_138 = arith.muli %mul3A_137, %scan3A_136 : i32
      %add3A_139 = arith.constant 1 : i32
      %add3A_140 = arith.addi %mul3A_138, %add3A_139 : i32
      %add3A_141 = arith.constant 0 : i32
      %add3A_142 = arith.addi %add3A_141, %mul3A_2 : i32
      %mul3A_143 = arith.constant 128 : i32
      %mul3A_144 = arith.muli %add3A_140, %mul3A_143 : i32
      %add3A_145 = arith.addi %add3A_142, %mul3A_144 : i32
      %dma_start3A_146 = arith.constant 0 : i32
      %dma_start3A_147 = tpu.memref_slice %arg10[%add3A_145, %dma_start3A_146] : memref<819200x128xf32, #tpu.memory_space<hbm>> -> memref<128x128xf32, #tpu.memory_space<hbm>>
      %dma_start3A_148 = arith.constant 0 : i32
      %dma_start3A_149 = tpu.memref_slice %arg10[%add3A_145, %dma_start3A_148] : memref<819200x128xf32, #tpu.memory_space<hbm>> -> memref<128x128xf32, #tpu.memory_space<hbm>>
      tpu.enqueue_dma source(%arg12 : memref<128x128xf32, #tpu.memory_space<vmem>>) target(%dma_start3A_149 : memref<128x128xf32, #tpu.memory_space<hbm>>) target_semaphore(%arg14 : memref<!tpu.dma_semaphore, #tpu.memory_space<semaphore_mem>>)
      %dma_wait3A_150 = arith.constant 0 : i32
      %dma_wait3A_151 = arith.constant 0 : i32
      %dma_wait3A_152 = tpu.memref_slice %arg10[%dma_wait3A_150, %dma_wait3A_151] : memref<819200x128xf32, #tpu.memory_space<hbm>> -> memref<128x128xf32, #tpu.memory_space<hbm>>
      %dma_wait3A_153 = arith.constant 0 : i32
      %dma_wait3A_154 = arith.constant 0 : i32
      %dma_wait3A_155 = tpu.memref_slice %arg10[%dma_wait3A_153, %dma_wait3A_154] : memref<819200x128xf32, #tpu.memory_space<hbm>> -> memref<128x128xf32, #tpu.memory_space<hbm>>
      tpu.wait_dma2 semaphore(%arg13 : memref<!tpu.dma_semaphore, #tpu.memory_space<semaphore_mem>>) src(%arg11 : memref<128x128xf32, #tpu.memory_space<vmem>>) dst(%dma_wait3A_155 : memref<128x128xf32, #tpu.memory_space<hbm>>)
      %mul3A_156 = arith.constant 2 : i32
      %mul3A_157 = arith.muli %mul3A_156, %scan3A_136 : i32
      %add3A_158 = arith.constant 2 : i32
      %add3A_159 = arith.addi %mul3A_157, %add3A_158 : i32
      %add3A_160 = arith.constant 0 : i32
      %add3A_161 = arith.addi %add3A_160, %mul3A_2 : i32
      %mul3A_162 = arith.constant 128 : i32
      %mul3A_163 = arith.muli %add3A_159, %mul3A_162 : i32
      %add3A_164 = arith.addi %add3A_161, %mul3A_163 : i32
      %dma_start3A_165 = arith.constant 0 : i32
      %dma_start3A_166 = tpu.memref_slice %arg10[%add3A_164, %dma_start3A_165] : memref<819200x128xf32, #tpu.memory_space<hbm>> -> memref<128x128xf32, #tpu.memory_space<hbm>>
      %dma_start3A_167 = arith.constant 0 : i32
      %dma_start3A_168 = tpu.memref_slice %arg10[%add3A_164, %dma_start3A_167] : memref<819200x128xf32, #tpu.memory_space<hbm>> -> memref<128x128xf32, #tpu.memory_space<hbm>>
      tpu.enqueue_dma source(%arg11 : memref<128x128xf32, #tpu.memory_space<vmem>>) target(%dma_start3A_168 : memref<128x128xf32, #tpu.memory_space<hbm>>) target_semaphore(%arg13 : memref<!tpu.dma_semaphore, #tpu.memory_space<semaphore_mem>>)
      %dma_wait3A_169 = arith.constant 0 : i32
      %dma_wait3A_170 = arith.constant 0 : i32
      %dma_wait3A_171 = tpu.memref_slice %arg10[%dma_wait3A_169, %dma_wait3A_170] : memref<819200x128xf32, #tpu.memory_space<hbm>> -> memref<128x128xf32, #tpu.memory_space<hbm>>
      %dma_wait3A_172 = arith.constant 0 : i32
      %dma_wait3A_173 = arith.constant 0 : i32
      %dma_wait3A_174 = tpu.memref_slice %arg10[%dma_wait3A_172, %dma_wait3A_173] : memref<819200x128xf32, #tpu.memory_space<hbm>> -> memref<128x128xf32, #tpu.memory_space<hbm>>
      tpu.wait_dma2 semaphore(%arg14 : memref<!tpu.dma_semaphore, #tpu.memory_space<semaphore_mem>>) src(%arg12 : memref<128x128xf32, #tpu.memory_space<vmem>>) dst(%dma_wait3A_174 : memref<128x128xf32, #tpu.memory_space<hbm>>)
    }
    %scan3A_14 = arith.constant 24 : i32
    %add3A_15 = arith.constant 0 : i32
    %add3A_16 = arith.addi %add3A_15, %mul3A_2 : i32
    %add3A_17 = arith.constant 6272 : i32
    %add3A_18 = arith.addi %add3A_16, %add3A_17 : i32
    %dma_start3A_19 = arith.constant 0 : i32
    %dma_start3A_20 = tpu.memref_slice %arg10[%add3A_18, %dma_start3A_19] : memref<819200x128xf32, #tpu.memory_space<hbm>> -> memref<128x128xf32, #tpu.memory_space<hbm>>
    %dma_start3A_21 = arith.constant 0 : i32
    %dma_start3A_22 = tpu.memref_slice %arg10[%add3A_18, %dma_start3A_21] : memref<819200x128xf32, #tpu.memory_space<hbm>> -> memref<128x128xf32, #tpu.memory_space<hbm>>
    tpu.enqueue_dma source(%arg12 : memref<128x128xf32, #tpu.memory_space<vmem>>) target(%dma_start3A_22 : memref<128x128xf32, #tpu.memory_space<hbm>>) target_semaphore(%arg14 : memref<!tpu.dma_semaphore, #tpu.memory_space<semaphore_mem>>)
    %dma_wait3A = arith.constant 0 : i32
    %dma_wait3A_23 = arith.constant 0 : i32
    %dma_wait3A_24 = tpu.memref_slice %arg10[%dma_wait3A, %dma_wait3A_23] : memref<819200x128xf32, #tpu.memory_space<hbm>> -> memref<128x128xf32, #tpu.memory_space<hbm>>
    %dma_wait3A_25 = arith.constant 0 : i32
    %dma_wait3A_26 = arith.constant 0 : i32
    %dma_wait3A_27 = tpu.memref_slice %arg10[%dma_wait3A_25, %dma_wait3A_26] : memref<819200x128xf32, #tpu.memory_space<hbm>> -> memref<128x128xf32, #tpu.memory_space<hbm>>
    tpu.wait_dma2 semaphore(%arg13 : memref<!tpu.dma_semaphore, #tpu.memory_space<semaphore_mem>>) src(%arg11 : memref<128x128xf32, #tpu.memory_space<vmem>>) dst(%dma_wait3A_27 : memref<128x128xf32, #tpu.memory_space<hbm>>)
    %dma_wait3A_28 = arith.constant 0 : i32
    %dma_wait3A_29 = arith.constant 0 : i32
    %dma_wait3A_30 = tpu.memref_slice %arg10[%dma_wait3A_28, %dma_wait3A_29] : memref<819200x128xf32, #tpu.memory_space<hbm>> -> memref<128x128xf32, #tpu.memory_space<hbm>>
    %dma_wait3A_31 = arith.constant 0 : i32
    %dma_wait3A_32 = arith.constant 0 : i32
    %dma_wait3A_33 = tpu.memref_slice %arg10[%dma_wait3A_31, %dma_wait3A_32] : memref<819200x128xf32, #tpu.memory_space<hbm>> -> memref<128x128xf32, #tpu.memory_space<hbm>>
    tpu.wait_dma2 semaphore(%arg14 : memref<!tpu.dma_semaphore, #tpu.memory_space<semaphore_mem>>) src(%arg12 : memref<128x128xf32, #tpu.memory_space<vmem>>) dst(%dma_wait3A_33 : memref<128x128xf32, #tpu.memory_space<hbm>>)
    %add3A_34 = arith.constant 204800 : i32
    %add3A_35 = arith.addi %add3A_34, %mul3A_2 : i32
    %add3A_36 = arith.constant 0 : i32
    %add3A_37 = arith.addi %add3A_35, %add3A_36 : i32
    %dma_start3A_38 = arith.constant 0 : i32
    %dma_start3A_39 = tpu.memref_slice %arg10[%add3A_37, %dma_start3A_38] : memref<819200x128xf32, #tpu.memory_space<hbm>> -> memref<128x128xf32, #tpu.memory_space<hbm>>
    %dma_start3A_40 = arith.constant 0 : i32
    %dma_start3A_41 = tpu.memref_slice %arg10[%add3A_37, %dma_start3A_40] : memref<819200x128xf32, #tpu.memory_space<hbm>> -> memref<128x128xf32, #tpu.memory_space<hbm>>
    tpu.enqueue_dma source(%arg11 : memref<128x128xf32, #tpu.memory_space<vmem>>) target(%dma_start3A_41 : memref<128x128xf32, #tpu.memory_space<hbm>>) target_semaphore(%arg13 : memref<!tpu.dma_semaphore, #tpu.memory_space<semaphore_mem>>)
    %scan3A_42 = arith.constant 0 : i32
    %scan3A_43 = arith.constant 0 : i32
    %scan3A_44 = arith.constant 24 : i32
    %scan3A_45 = arith.addi %scan3A_43, %scan3A_44 : i32
    %scan3A_46 = arith.constant 1 : i32
    scf.for %scan3A_136 = %scan3A_43 to %scan3A_45 step %scan3A_46  : i32 {
      %mul3A_137 = arith.constant 2 : i32
      %mul3A_138 = arith.muli %mul3A_137, %scan3A_136 : i32
      %add3A_139 = arith.constant 1 : i32
      %add3A_140 = arith.addi %mul3A_138, %add3A_139 : i32
      %add3A_141 = arith.constant 204800 : i32
      %add3A_142 = arith.addi %add3A_141, %mul3A_2 : i32
      %mul3A_143 = arith.constant 128 : i32
      %mul3A_144 = arith.muli %add3A_140, %mul3A_143 : i32
      %add3A_145 = arith.addi %add3A_142, %mul3A_144 : i32
      %dma_start3A_146 = arith.constant 0 : i32
      %dma_start3A_147 = tpu.memref_slice %arg10[%add3A_145, %dma_start3A_146] : memref<819200x128xf32, #tpu.memory_space<hbm>> -> memref<128x128xf32, #tpu.memory_space<hbm>>
      %dma_start3A_148 = arith.constant 0 : i32
      %dma_start3A_149 = tpu.memref_slice %arg10[%add3A_145, %dma_start3A_148] : memref<819200x128xf32, #tpu.memory_space<hbm>> -> memref<128x128xf32, #tpu.memory_space<hbm>>
      tpu.enqueue_dma source(%arg12 : memref<128x128xf32, #tpu.memory_space<vmem>>) target(%dma_start3A_149 : memref<128x128xf32, #tpu.memory_space<hbm>>) target_semaphore(%arg14 : memref<!tpu.dma_semaphore, #tpu.memory_space<semaphore_mem>>)
      %dma_wait3A_150 = arith.constant 0 : i32
      %dma_wait3A_151 = arith.constant 0 : i32
      %dma_wait3A_152 = tpu.memref_slice %arg10[%dma_wait3A_150, %dma_wait3A_151] : memref<819200x128xf32, #tpu.memory_space<hbm>> -> memref<128x128xf32, #tpu.memory_space<hbm>>
      %dma_wait3A_153 = arith.constant 0 : i32
      %dma_wait3A_154 = arith.constant 0 : i32
      %dma_wait3A_155 = tpu.memref_slice %arg10[%dma_wait3A_153, %dma_wait3A_154] : memref<819200x128xf32, #tpu.memory_space<hbm>> -> memref<128x128xf32, #tpu.memory_space<hbm>>
      tpu.wait_dma2 semaphore(%arg13 : memref<!tpu.dma_semaphore, #tpu.memory_space<semaphore_mem>>) src(%arg11 : memref<128x128xf32, #tpu.memory_space<vmem>>) dst(%dma_wait3A_155 : memref<128x128xf32, #tpu.memory_space<hbm>>)
      %mul3A_156 = arith.constant 2 : i32
      %mul3A_157 = arith.muli %mul3A_156, %scan3A_136 : i32
      %add3A_158 = arith.constant 2 : i32
      %add3A_159 = arith.addi %mul3A_157, %add3A_158 : i32
      %add3A_160 = arith.constant 204800 : i32
      %add3A_161 = arith.addi %add3A_160, %mul3A_2 : i32
      %mul3A_162 = arith.constant 128 : i32
      %mul3A_163 = arith.muli %add3A_159, %mul3A_162 : i32
      %add3A_164 = arith.addi %add3A_161, %mul3A_163 : i32
      %dma_start3A_165 = arith.constant 0 : i32
      %dma_start3A_166 = tpu.memref_slice %arg10[%add3A_164, %dma_start3A_165] : memref<819200x128xf32, #tpu.memory_space<hbm>> -> memref<128x128xf32, #tpu.memory_space<hbm>>
      %dma_start3A_167 = arith.constant 0 : i32
      %dma_start3A_168 = tpu.memref_slice %arg10[%add3A_164, %dma_start3A_167] : memref<819200x128xf32, #tpu.memory_space<hbm>> -> memref<128x128xf32, #tpu.memory_space<hbm>>
      tpu.enqueue_dma source(%arg11 : memref<128x128xf32, #tpu.memory_space<vmem>>) target(%dma_start3A_168 : memref<128x128xf32, #tpu.memory_space<hbm>>) target_semaphore(%arg13 : memref<!tpu.dma_semaphore, #tpu.memory_space<semaphore_mem>>)
      %dma_wait3A_169 = arith.constant 0 : i32
      %dma_wait3A_170 = arith.constant 0 : i32
      %dma_wait3A_171 = tpu.memref_slice %arg10[%dma_wait3A_169, %dma_wait3A_170] : memref<819200x128xf32, #tpu.memory_space<hbm>> -> memref<128x128xf32, #tpu.memory_space<hbm>>
      %dma_wait3A_172 = arith.constant 0 : i32
      %dma_wait3A_173 = arith.constant 0 : i32
      %dma_wait3A_174 = tpu.memref_slice %arg10[%dma_wait3A_172, %dma_wait3A_173] : memref<819200x128xf32, #tpu.memory_space<hbm>> -> memref<128x128xf32, #tpu.memory_space<hbm>>
      tpu.wait_dma2 semaphore(%arg14 : memref<!tpu.dma_semaphore, #tpu.memory_space<semaphore_mem>>) src(%arg12 : memref<128x128xf32, #tpu.memory_space<vmem>>) dst(%dma_wait3A_174 : memref<128x128xf32, #tpu.memory_space<hbm>>)
    }
    %scan3A_47 = arith.constant 24 : i32
    %add3A_48 = arith.constant 204800 : i32
    %add3A_49 = arith.addi %add3A_48, %mul3A_2 : i32
    %add3A_50 = arith.constant 6272 : i32
    %add3A_51 = arith.addi %add3A_49, %add3A_50 : i32
    %dma_start3A_52 = arith.constant 0 : i32
    %dma_start3A_53 = tpu.memref_slice %arg10[%add3A_51, %dma_start3A_52] : memref<819200x128xf32, #tpu.memory_space<hbm>> -> memref<128x128xf32, #tpu.memory_space<hbm>>
    %dma_start3A_54 = arith.constant 0 : i32
    %dma_start3A_55 = tpu.memref_slice %arg10[%add3A_51, %dma_start3A_54] : memref<819200x128xf32, #tpu.memory_space<hbm>> -> memref<128x128xf32, #tpu.memory_space<hbm>>
    tpu.enqueue_dma source(%arg12 : memref<128x128xf32, #tpu.memory_space<vmem>>) target(%dma_start3A_55 : memref<128x128xf32, #tpu.memory_space<hbm>>) target_semaphore(%arg14 : memref<!tpu.dma_semaphore, #tpu.memory_space<semaphore_mem>>)
    %dma_wait3A_56 = arith.constant 0 : i32
    %dma_wait3A_57 = arith.constant 0 : i32
    %dma_wait3A_58 = tpu.memref_slice %arg10[%dma_wait3A_56, %dma_wait3A_57] : memref<819200x128xf32, #tpu.memory_space<hbm>> -> memref<128x128xf32, #tpu.memory_space<hbm>>
    %dma_wait3A_59 = arith.constant 0 : i32
    %dma_wait3A_60 = arith.constant 0 : i32
    %dma_wait3A_61 = tpu.memref_slice %arg10[%dma_wait3A_59, %dma_wait3A_60] : memref<819200x128xf32, #tpu.memory_space<hbm>> -> memref<128x128xf32, #tpu.memory_space<hbm>>
    tpu.wait_dma2 semaphore(%arg13 : memref<!tpu.dma_semaphore, #tpu.memory_space<semaphore_mem>>) src(%arg11 : memref<128x128xf32, #tpu.memory_space<vmem>>) dst(%dma_wait3A_61 : memref<128x128xf32, #tpu.memory_space<hbm>>)
    %dma_wait3A_62 = arith.constant 0 : i32
    %dma_wait3A_63 = arith.constant 0 : i32
    %dma_wait3A_64 = tpu.memref_slice %arg10[%dma_wait3A_62, %dma_wait3A_63] : memref<819200x128xf32, #tpu.memory_space<hbm>> -> memref<128x128xf32, #tpu.memory_space<hbm>>
    %dma_wait3A_65 = arith.constant 0 : i32
    %dma_wait3A_66 = arith.constant 0 : i32
    %dma_wait3A_67 = tpu.memref_slice %arg10[%dma_wait3A_65, %dma_wait3A_66] : memref<819200x128xf32, #tpu.memory_space<hbm>> -> memref<128x128xf32, #tpu.memory_space<hbm>>
    tpu.wait_dma2 semaphore(%arg14 : memref<!tpu.dma_semaphore, #tpu.memory_space<semaphore_mem>>) src(%arg12 : memref<128x128xf32, #tpu.memory_space<vmem>>) dst(%dma_wait3A_67 : memref<128x128xf32, #tpu.memory_space<hbm>>)
    %add3A_68 = arith.constant 409600 : i32
    %add3A_69 = arith.addi %add3A_68, %mul3A_2 : i32
    %add3A_70 = arith.constant 0 : i32
    %add3A_71 = arith.addi %add3A_69, %add3A_70 : i32
    %dma_start3A_72 = arith.constant 0 : i32
    %dma_start3A_73 = tpu.memref_slice %arg10[%add3A_71, %dma_start3A_72] : memref<819200x128xf32, #tpu.memory_space<hbm>> -> memref<128x128xf32, #tpu.memory_space<hbm>>
    %dma_start3A_74 = arith.constant 0 : i32
    %dma_start3A_75 = tpu.memref_slice %arg10[%add3A_71, %dma_start3A_74] : memref<819200x128xf32, #tpu.memory_space<hbm>> -> memref<128x128xf32, #tpu.memory_space<hbm>>
    tpu.enqueue_dma source(%arg11 : memref<128x128xf32, #tpu.memory_space<vmem>>) target(%dma_start3A_75 : memref<128x128xf32, #tpu.memory_space<hbm>>) target_semaphore(%arg13 : memref<!tpu.dma_semaphore, #tpu.memory_space<semaphore_mem>>)
    %scan3A_76 = arith.constant 0 : i32
    %scan3A_77 = arith.constant 0 : i32
    %scan3A_78 = arith.constant 24 : i32
    %scan3A_79 = arith.addi %scan3A_77, %scan3A_78 : i32
    %scan3A_80 = arith.constant 1 : i32
    scf.for %scan3A_136 = %scan3A_77 to %scan3A_79 step %scan3A_80  : i32 {
      %mul3A_137 = arith.constant 2 : i32
      %mul3A_138 = arith.muli %mul3A_137, %scan3A_136 : i32
      %add3A_139 = arith.constant 1 : i32
      %add3A_140 = arith.addi %mul3A_138, %add3A_139 : i32
      %add3A_141 = arith.constant 409600 : i32
      %add3A_142 = arith.addi %add3A_141, %mul3A_2 : i32
      %mul3A_143 = arith.constant 128 : i32
      %mul3A_144 = arith.muli %add3A_140, %mul3A_143 : i32
      %add3A_145 = arith.addi %add3A_142, %mul3A_144 : i32
      %dma_start3A_146 = arith.constant 0 : i32
      %dma_start3A_147 = tpu.memref_slice %arg10[%add3A_145, %dma_start3A_146] : memref<819200x128xf32, #tpu.memory_space<hbm>> -> memref<128x128xf32, #tpu.memory_space<hbm>>
      %dma_start3A_148 = arith.constant 0 : i32
      %dma_start3A_149 = tpu.memref_slice %arg10[%add3A_145, %dma_start3A_148] : memref<819200x128xf32, #tpu.memory_space<hbm>> -> memref<128x128xf32, #tpu.memory_space<hbm>>
      tpu.enqueue_dma source(%arg12 : memref<128x128xf32, #tpu.memory_space<vmem>>) target(%dma_start3A_149 : memref<128x128xf32, #tpu.memory_space<hbm>>) target_semaphore(%arg14 : memref<!tpu.dma_semaphore, #tpu.memory_space<semaphore_mem>>)
      %dma_wait3A_150 = arith.constant 0 : i32
      %dma_wait3A_151 = arith.constant 0 : i32
      %dma_wait3A_152 = tpu.memref_slice %arg10[%dma_wait3A_150, %dma_wait3A_151] : memref<819200x128xf32, #tpu.memory_space<hbm>> -> memref<128x128xf32, #tpu.memory_space<hbm>>
      %dma_wait3A_153 = arith.constant 0 : i32
      %dma_wait3A_154 = arith.constant 0 : i32
      %dma_wait3A_155 = tpu.memref_slice %arg10[%dma_wait3A_153, %dma_wait3A_154] : memref<819200x128xf32, #tpu.memory_space<hbm>> -> memref<128x128xf32, #tpu.memory_space<hbm>>
      tpu.wait_dma2 semaphore(%arg13 : memref<!tpu.dma_semaphore, #tpu.memory_space<semaphore_mem>>) src(%arg11 : memref<128x128xf32, #tpu.memory_space<vmem>>) dst(%dma_wait3A_155 : memref<128x128xf32, #tpu.memory_space<hbm>>)
      %mul3A_156 = arith.constant 2 : i32
      %mul3A_157 = arith.muli %mul3A_156, %scan3A_136 : i32
      %add3A_158 = arith.constant 2 : i32
      %add3A_159 = arith.addi %mul3A_157, %add3A_158 : i32
      %add3A_160 = arith.constant 409600 : i32
      %add3A_161 = arith.addi %add3A_160, %mul3A_2 : i32
      %mul3A_162 = arith.constant 128 : i32
      %mul3A_163 = arith.muli %add3A_159, %mul3A_162 : i32
      %add3A_164 = arith.addi %add3A_161, %mul3A_163 : i32
      %dma_start3A_165 = arith.constant 0 : i32
      %dma_start3A_166 = tpu.memref_slice %arg10[%add3A_164, %dma_start3A_165] : memref<819200x128xf32, #tpu.memory_space<hbm>> -> memref<128x128xf32, #tpu.memory_space<hbm>>
      %dma_start3A_167 = arith.constant 0 : i32
      %dma_start3A_168 = tpu.memref_slice %arg10[%add3A_164, %dma_start3A_167] : memref<819200x128xf32, #tpu.memory_space<hbm>> -> memref<128x128xf32, #tpu.memory_space<hbm>>
      tpu.enqueue_dma source(%arg11 : memref<128x128xf32, #tpu.memory_space<vmem>>) target(%dma_start3A_168 : memref<128x128xf32, #tpu.memory_space<hbm>>) target_semaphore(%arg13 : memref<!tpu.dma_semaphore, #tpu.memory_space<semaphore_mem>>)
      %dma_wait3A_169 = arith.constant 0 : i32
      %dma_wait3A_170 = arith.constant 0 : i32
      %dma_wait3A_171 = tpu.memref_slice %arg10[%dma_wait3A_169, %dma_wait3A_170] : memref<819200x128xf32, #tpu.memory_space<hbm>> -> memref<128x128xf32, #tpu.memory_space<hbm>>
      %dma_wait3A_172 = arith.constant 0 : i32
      %dma_wait3A_173 = arith.constant 0 : i32
      %dma_wait3A_174 = tpu.memref_slice %arg10[%dma_wait3A_172, %dma_wait3A_173] : memref<819200x128xf32, #tpu.memory_space<hbm>> -> memref<128x128xf32, #tpu.memory_space<hbm>>
      tpu.wait_dma2 semaphore(%arg14 : memref<!tpu.dma_semaphore, #tpu.memory_space<semaphore_mem>>) src(%arg12 : memref<128x128xf32, #tpu.memory_space<vmem>>) dst(%dma_wait3A_174 : memref<128x128xf32, #tpu.memory_space<hbm>>)
    }
    %scan3A_81 = arith.constant 24 : i32
    %add3A_82 = arith.constant 409600 : i32
    %add3A_83 = arith.addi %add3A_82, %mul3A_2 : i32
    %add3A_84 = arith.constant 6272 : i32
    %add3A_85 = arith.addi %add3A_83, %add3A_84 : i32
    %dma_start3A_86 = arith.constant 0 : i32
    %dma_start3A_87 = tpu.memref_slice %arg10[%add3A_85, %dma_start3A_86] : memref<819200x128xf32, #tpu.memory_space<hbm>> -> memref<128x128xf32, #tpu.memory_space<hbm>>
    %dma_start3A_88 = arith.constant 0 : i32
    %dma_start3A_89 = tpu.memref_slice %arg10[%add3A_85, %dma_start3A_88] : memref<819200x128xf32, #tpu.memory_space<hbm>> -> memref<128x128xf32, #tpu.memory_space<hbm>>
    tpu.enqueue_dma source(%arg12 : memref<128x128xf32, #tpu.memory_space<vmem>>) target(%dma_start3A_89 : memref<128x128xf32, #tpu.memory_space<hbm>>) target_semaphore(%arg14 : memref<!tpu.dma_semaphore, #tpu.memory_space<semaphore_mem>>)
    %dma_wait3A_90 = arith.constant 0 : i32
    %dma_wait3A_91 = arith.constant 0 : i32
    %dma_wait3A_92 = tpu.memref_slice %arg10[%dma_wait3A_90, %dma_wait3A_91] : memref<819200x128xf32, #tpu.memory_space<hbm>> -> memref<128x128xf32, #tpu.memory_space<hbm>>
    %dma_wait3A_93 = arith.constant 0 : i32
    %dma_wait3A_94 = arith.constant 0 : i32
    %dma_wait3A_95 = tpu.memref_slice %arg10[%dma_wait3A_93, %dma_wait3A_94] : memref<819200x128xf32, #tpu.memory_space<hbm>> -> memref<128x128xf32, #tpu.memory_space<hbm>>
    tpu.wait_dma2 semaphore(%arg13 : memref<!tpu.dma_semaphore, #tpu.memory_space<semaphore_mem>>) src(%arg11 : memref<128x128xf32, #tpu.memory_space<vmem>>) dst(%dma_wait3A_95 : memref<128x128xf32, #tpu.memory_space<hbm>>)
    %dma_wait3A_96 = arith.constant 0 : i32
    %dma_wait3A_97 = arith.constant 0 : i32
    %dma_wait3A_98 = tpu.memref_slice %arg10[%dma_wait3A_96, %dma_wait3A_97] : memref<819200x128xf32, #tpu.memory_space<hbm>> -> memref<128x128xf32, #tpu.memory_space<hbm>>
    %dma_wait3A_99 = arith.constant 0 : i32
    %dma_wait3A_100 = arith.constant 0 : i32
    %dma_wait3A_101 = tpu.memref_slice %arg10[%dma_wait3A_99, %dma_wait3A_100] : memref<819200x128xf32, #tpu.memory_space<hbm>> -> memref<128x128xf32, #tpu.memory_space<hbm>>
    tpu.wait_dma2 semaphore(%arg14 : memref<!tpu.dma_semaphore, #tpu.memory_space<semaphore_mem>>) src(%arg12 : memref<128x128xf32, #tpu.memory_space<vmem>>) dst(%dma_wait3A_101 : memref<128x128xf32, #tpu.memory_space<hbm>>)
    %add3A_102 = arith.constant 614400 : i32
    %add3A_103 = arith.addi %add3A_102, %mul3A_2 : i32
    %add3A_104 = arith.constant 0 : i32
    %add3A_105 = arith.addi %add3A_103, %add3A_104 : i32
    %dma_start3A_106 = arith.constant 0 : i32
    %dma_start3A_107 = tpu.memref_slice %arg10[%add3A_105, %dma_start3A_106] : memref<819200x128xf32, #tpu.memory_space<hbm>> -> memref<128x128xf32, #tpu.memory_space<hbm>>
    %dma_start3A_108 = arith.constant 0 : i32
    %dma_start3A_109 = tpu.memref_slice %arg10[%add3A_105, %dma_start3A_108] : memref<819200x128xf32, #tpu.memory_space<hbm>> -> memref<128x128xf32, #tpu.memory_space<hbm>>
    tpu.enqueue_dma source(%arg11 : memref<128x128xf32, #tpu.memory_space<vmem>>) target(%dma_start3A_109 : memref<128x128xf32, #tpu.memory_space<hbm>>) target_semaphore(%arg13 : memref<!tpu.dma_semaphore, #tpu.memory_space<semaphore_mem>>)
    %scan3A_110 = arith.constant 0 : i32
    %scan3A_111 = arith.constant 0 : i32
    %scan3A_112 = arith.constant 24 : i32
    %scan3A_113 = arith.addi %scan3A_111, %scan3A_112 : i32
    %scan3A_114 = arith.constant 1 : i32
    scf.for %scan3A_136 = %scan3A_111 to %scan3A_113 step %scan3A_114  : i32 {
      %mul3A_137 = arith.constant 2 : i32
      %mul3A_138 = arith.muli %mul3A_137, %scan3A_136 : i32
      %add3A_139 = arith.constant 1 : i32
      %add3A_140 = arith.addi %mul3A_138, %add3A_139 : i32
      %add3A_141 = arith.constant 614400 : i32
      %add3A_142 = arith.addi %add3A_141, %mul3A_2 : i32
      %mul3A_143 = arith.constant 128 : i32
      %mul3A_144 = arith.muli %add3A_140, %mul3A_143 : i32
      %add3A_145 = arith.addi %add3A_142, %mul3A_144 : i32
      %dma_start3A_146 = arith.constant 0 : i32
      %dma_start3A_147 = tpu.memref_slice %arg10[%add3A_145, %dma_start3A_146] : memref<819200x128xf32, #tpu.memory_space<hbm>> -> memref<128x128xf32, #tpu.memory_space<hbm>>
      %dma_start3A_148 = arith.constant 0 : i32
      %dma_start3A_149 = tpu.memref_slice %arg10[%add3A_145, %dma_start3A_148] : memref<819200x128xf32, #tpu.memory_space<hbm>> -> memref<128x128xf32, #tpu.memory_space<hbm>>
      tpu.enqueue_dma source(%arg12 : memref<128x128xf32, #tpu.memory_space<vmem>>) target(%dma_start3A_149 : memref<128x128xf32, #tpu.memory_space<hbm>>) target_semaphore(%arg14 : memref<!tpu.dma_semaphore, #tpu.memory_space<semaphore_mem>>)
      %dma_wait3A_150 = arith.constant 0 : i32
      %dma_wait3A_151 = arith.constant 0 : i32
      %dma_wait3A_152 = tpu.memref_slice %arg10[%dma_wait3A_150, %dma_wait3A_151] : memref<819200x128xf32, #tpu.memory_space<hbm>> -> memref<128x128xf32, #tpu.memory_space<hbm>>
      %dma_wait3A_153 = arith.constant 0 : i32
      %dma_wait3A_154 = arith.constant 0 : i32
      %dma_wait3A_155 = tpu.memref_slice %arg10[%dma_wait3A_153, %dma_wait3A_154] : memref<819200x128xf32, #tpu.memory_space<hbm>> -> memref<128x128xf32, #tpu.memory_space<hbm>>
      tpu.wait_dma2 semaphore(%arg13 : memref<!tpu.dma_semaphore, #tpu.memory_space<semaphore_mem>>) src(%arg11 : memref<128x128xf32, #tpu.memory_space<vmem>>) dst(%dma_wait3A_155 : memref<128x128xf32, #tpu.memory_space<hbm>>)
      %mul3A_156 = arith.constant 2 : i32
      %mul3A_157 = arith.muli %mul3A_156, %scan3A_136 : i32
      %add3A_158 = arith.constant 2 : i32
      %add3A_159 = arith.addi %mul3A_157, %add3A_158 : i32
      %add3A_160 = arith.constant 614400 : i32
      %add3A_161 = arith.addi %add3A_160, %mul3A_2 : i32
      %mul3A_162 = arith.constant 128 : i32
      %mul3A_163 = arith.muli %add3A_159, %mul3A_162 : i32
      %add3A_164 = arith.addi %add3A_161, %mul3A_163 : i32
      %dma_start3A_165 = arith.constant 0 : i32
      %dma_start3A_166 = tpu.memref_slice %arg10[%add3A_164, %dma_start3A_165] : memref<819200x128xf32, #tpu.memory_space<hbm>> -> memref<128x128xf32, #tpu.memory_space<hbm>>
      %dma_start3A_167 = arith.constant 0 : i32
      %dma_start3A_168 = tpu.memref_slice %arg10[%add3A_164, %dma_start3A_167] : memref<819200x128xf32, #tpu.memory_space<hbm>> -> memref<128x128xf32, #tpu.memory_space<hbm>>
      tpu.enqueue_dma source(%arg11 : memref<128x128xf32, #tpu.memory_space<vmem>>) target(%dma_start3A_168 : memref<128x128xf32, #tpu.memory_space<hbm>>) target_semaphore(%arg13 : memref<!tpu.dma_semaphore, #tpu.memory_space<semaphore_mem>>)
      %dma_wait3A_169 = arith.constant 0 : i32
      %dma_wait3A_170 = arith.constant 0 : i32
      %dma_wait3A_171 = tpu.memref_slice %arg10[%dma_wait3A_169, %dma_wait3A_170] : memref<819200x128xf32, #tpu.memory_space<hbm>> -> memref<128x128xf32, #tpu.memory_space<hbm>>
      %dma_wait3A_172 = arith.constant 0 : i32
      %dma_wait3A_173 = arith.constant 0 : i32
      %dma_wait3A_174 = tpu.memref_slice %arg10[%dma_wait3A_172, %dma_wait3A_173] : memref<819200x128xf32, #tpu.memory_space<hbm>> -> memref<128x128xf32, #tpu.memory_space<hbm>>
      tpu.wait_dma2 semaphore(%arg14 : memref<!tpu.dma_semaphore, #tpu.memory_space<semaphore_mem>>) src(%arg12 : memref<128x128xf32, #tpu.memory_space<vmem>>) dst(%dma_wait3A_174 : memref<128x128xf32, #tpu.memory_space<hbm>>)
    }
    %scan3A_115 = arith.constant 24 : i32
    %add3A_116 = arith.constant 614400 : i32
    %add3A_117 = arith.addi %add3A_116, %mul3A_2 : i32
    %add3A_118 = arith.constant 6272 : i32
    %add3A_119 = arith.addi %add3A_117, %add3A_118 : i32
    %dma_start3A_120 = arith.constant 0 : i32
    %dma_start3A_121 = tpu.memref_slice %arg10[%add3A_119, %dma_start3A_120] : memref<819200x128xf32, #tpu.memory_space<hbm>> -> memref<128x128xf32, #tpu.memory_space<hbm>>
    %dma_start3A_122 = arith.constant 0 : i32
    %dma_start3A_123 = tpu.memref_slice %arg10[%add3A_119, %dma_start3A_122] : memref<819200x128xf32, #tpu.memory_space<hbm>> -> memref<128x128xf32, #tpu.memory_space<hbm>>
    tpu.enqueue_dma source(%arg12 : memref<128x128xf32, #tpu.memory_space<vmem>>) target(%dma_start3A_123 : memref<128x128xf32, #tpu.memory_space<hbm>>) target_semaphore(%arg14 : memref<!tpu.dma_semaphore, #tpu.memory_space<semaphore_mem>>)
    %dma_wait3A_124 = arith.constant 0 : i32
    %dma_wait3A_125 = arith.constant 0 : i32
    %dma_wait3A_126 = tpu.memref_slice %arg10[%dma_wait3A_124, %dma_wait3A_125] : memref<819200x128xf32, #tpu.memory_space<hbm>> -> memref<128x128xf32, #tpu.memory_space<hbm>>
    %dma_wait3A_127 = arith.constant 0 : i32
    %dma_wait3A_128 = arith.constant 0 : i32
    %dma_wait3A_129 = tpu.memref_slice %arg10[%dma_wait3A_127, %dma_wait3A_128] : memref<819200x128xf32, #tpu.memory_space<hbm>> -> memref<128x128xf32, #tpu.memory_space<hbm>>
    tpu.wait_dma2 semaphore(%arg13 : memref<!tpu.dma_semaphore, #tpu.memory_space<semaphore_mem>>) src(%arg11 : memref<128x128xf32, #tpu.memory_space<vmem>>) dst(%dma_wait3A_129 : memref<128x128xf32, #tpu.memory_space<hbm>>)
    %dma_wait3A_130 = arith.constant 0 : i32
    %dma_wait3A_131 = arith.constant 0 : i32
    %dma_wait3A_132 = tpu.memref_slice %arg10[%dma_wait3A_130, %dma_wait3A_131] : memref<819200x128xf32, #tpu.memory_space<hbm>> -> memref<128x128xf32, #tpu.memory_space<hbm>>
    %dma_wait3A_133 = arith.constant 0 : i32
    %dma_wait3A_134 = arith.constant 0 : i32
    %dma_wait3A_135 = tpu.memref_slice %arg10[%dma_wait3A_133, %dma_wait3A_134] : memref<819200x128xf32, #tpu.memory_space<hbm>> -> memref<128x128xf32, #tpu.memory_space<hbm>>
    tpu.wait_dma2 semaphore(%arg14 : memref<!tpu.dma_semaphore, #tpu.memory_space<semaphore_mem>>) src(%arg12 : memref<128x128xf32, #tpu.memory_space<vmem>>) dst(%dma_wait3A_135 : memref<128x128xf32, #tpu.memory_space<hbm>>)
    return
  }
}

</mosaic_0001>

<sc_bundles>
// kernel: kernel.3.cloned.1.call-start
scs
__scs_entry_jumppad:
0x0: {  	(pc) =	sbr.rel $0x88, $3  }
0x1: {  	(tag) =	ssettag $0x0;
	lr =	simm.s32 $0x1  }
0x2: {  	[smem:$0x3F99] =	sst lr;
	_ =	strace $0xD0000000  }
0x3: {  	_ = 	snop  }
0x4: {  	_ = 	snop  }
0x5: {  	_ = 	snop  }
0x6: {  	_ = 	snop  }
0x7: {  	_ = 	snop  }
__scs_overlays_trampoline_lowered:
0x8: {  	[smem:$0x3FA8] =	sst s0  }
0x9: {  	[smem:$0x3FA9] =	sst s1  }
0xa: {  	[smem:$0x3FAA] =	sst s2  }
0xb: {  	[smem:$0x3FAB] =	sst s3  }
0xc: {  	[smem:$0x3FAC] =	sst s4  }
0xd: {  	[smem:$0x3FAD] =	sst s5  }
0xe: {  	[smem:$0x3FAE] =	sst s6  }
0xf: {  	[smem:$0x3FAF] =	sst s7  }
0x10: {  	[smem:$0x3FB0] =	sst s8  }
0x11: {  	[smem:$0x3FB1] =	sst s9;
	s0 =	simm.s32 @!p0 $0x0  }
0x12: {  	s1 =	sld [smem:$0x3F97];
	s0 =	simm.s32 @p0 $0x1  }
0x13: {  	[smem:$0x3FB2] =	sst s0;
	s0 =	simm.s32 @!p1 $0x0  }
0x14: {  	s2 =	sld [smem:$0x3F96];
	s0 =	simm.s32 @p1 $0x1  }
0x15: {  	[smem:$0x3FB3] =	sst s0;
	s0 =	simm.s32 @!p2 $0x0  }
0x16: {  	s3 =	sld [smem:$0x3FDB];
	s0 =	simm.s32 @p2 $0x1  }
0x17: {  	s4 =	simm.s32 $0x1BF5;
	[smem:$0x3FB5] =	sst s0  }
0x18: {  	s0 =	sld [smem:$0x3F98];
	_ =	swait.ge [sflag:s4], $0x0  }
0x19: {  	s7 =	sld [smem:$0x3F99]  }
0x1a: {  	s8 =	sadd.s32 $0xFFFFE003, lr  }
0x1b: {  	s9 =	sadd.s32 $0xFFFFFEF7, lr;
	s5 =	simm.s32 $0xFFFFFFFF;
	p2 =	slt.u32 s8, $0xFFFFF086  }
0x1c: {  	p1 =	slt.u32 s9, $0xF7A;
	s5 =	simm.s32 @!p2 $0x0  }
0x1d: {  	s5 =	simm.s32 @p1 $0x1;
	p0 =	seq.s32 s7, s2  }
0x1e: {  	s7 =	smul.u32 @!p0 $0xF7A, s2;
	p2 =	seq.s32 @!p0 s5, $0x0  }
0x1f: {  	s9 =	smul.u32 $0xF7A, s1;
	s8 =	simm.s32 @!p0 $0x1BF5;
	p2 =	por !p2, p0  }
0x20: {  	[sflag:s8] =	ssyncset.s32 @!p0 $0xFFFFF086;
	s6 =	sadd.s32 @!p0 s3, s7;
	s7 =	simm.s32 @!p0 $0x108  }
0x21: {  	s3 =	sadd.s32 s3, s9;
	s6 =	sadd.s32 @!p0 $0x88, s6;
	s7 =	simm.s32 @p2 $0x1082  }
0x22: {  	[simem:s7], [sflag:s8] =	dma.local @!p0 [hbm:s6], $0xF7A  }
0x23: {  	s9 =	sor.u32 $0xD0000000, s2;
	s6 =	simm.s32 $0x108;
	_ =	swait.ge @!p0 [sflag:s8], $0x0  }
0x24: {  	s3 =	sadd.s32 $0x88, s3;
	s6 =	simm.s32 @!p1 $0x1082;
	[sflag:s4] =	ssyncset.s32 $0xFFFFF086  }
0x25: {  	[simem:s6], [sflag:s4] =	dma.local [hbm:s3], $0xF7A  }
0x26: {  	[smem:$0x3F99] =	sst s1;
	(tag) =	ssettag s2;
	_ =	strace s9  }
0x27: {  	s1 =	sld [smem:$0x3FA9]  }
0x28: {  	s2 =	sld [smem:$0x3FAA]  }
0x29: {  	s4 =	sld [smem:$0x3FAC]  }
0x2a: {  	p0 =	seq.s32 s5, $0x0;
	s5 =	sld [smem:$0x3FAD]  }
0x2b: {  	s6 =	sld [smem:$0x3FAE]  }
0x2c: {  	s7 =	sld [smem:$0x3FAF]  }
0x2d: {  	s3 =	simm.s32 $0x108;
	s8 =	sld [smem:$0x3FB0]  }
0x2e: {  	s3 =	simm.s32 @!p0 $0x1082;
	s9 =	sld [smem:$0x3FB1]  }
0x2f: {  	lr =	sadd.s32 s0, s3;
	s0 =	sld [smem:$0x3FA8]  }
0x30: {  	s3 =	sld [smem:$0x3FAB]  }
0x31: {  	[smem:$0x3FB4] =	sst s10  }
0x32: {  	s10 =	sld [smem:$0x3FB2];
	_ =	sdelay $0x3  }
0x33: {  	p0 =	seq.s32 s10, $0x1;
	s10 =	sld [smem:$0x3FB4];
	_ =	sdelay $0x3  }
0x34: {  	[smem:$0x3FB4] =	sst s10  }
0x35: {  	s10 =	sld [smem:$0x3FB3];
	_ =	sdelay $0x3  }
0x36: {  	p1 =	seq.s32 s10, $0x1;
	s10 =	sld [smem:$0x3FB4];
	_ =	sdelay $0x3  }
0x37: {  	[smem:$0x3FB4] =	sst s10  }
0x38: {  	s10 =	sld [smem:$0x3FB5]  }
0x39: {  	_ = 	snop;
	(pc) =	sbr.ind lr, $3  }
0x3a: {  	_ = 	snop  }
0x3b: {  	_ = 	snop  }
0x3c: {  	p2 =	seq.s32 s10, $0x1;
	s10 =	sld [smem:$0x3FB4]  }
0x3d: {  	_ =	shalt  }
0x3e: {  	_ =	shalt  }
0x3f: {  	_ =	shalt  }
0x40: {  	_ =	shalt  }
0x41: {  	_ =	shalt  }
0x42: {  	_ =	shalt  }
0x43: {  	_ =	shalt  }
0x44: {  	_ =	shalt  }
0x45: {  	_ =	shalt  }
0x46: {  	_ =	shalt  }
0x47: {  	_ =	shalt  }
0x48: {  	_ =	shalt  }
0x49: {  	_ =	shalt  }
0x4a: {  	_ =	shalt  }
0x4b: {  	_ =	shalt  }
0x4c: {  	_ =	shalt  }
0x4d: {  	_ =	shalt  }
0x4e: {  	_ =	shalt  }
0x4f: {  	_ =	shalt  }
0x50: {  	_ =	shalt  }
0x51: {  	_ =	shalt  }
0x52: {  	_ =	shalt  }
0x53: {  	_ =	shalt  }
0x54: {  	_ =	shalt  }
0x55: {  	_ =	shalt  }
0x56: {  	_ =	shalt  }
0x57: {  	_ =	shalt  }
0x58: {  	_ =	shalt  }
0x59: {  	_ =	shalt  }
0x5a: {  	_ =	shalt  }
0x5b: {  	_ =	shalt  }
0x5c: {  	_ =	shalt  }
0x5d: {  	_ =	shalt  }
0x5e: {  	_ =	shalt  }
0x5f: {  	_ =	shalt  }
0x60: {  	_ =	shalt  }
0x61: {  	_ =	shalt  }
0x62: {  	_ =	shalt  }
0x63: {  	_ =	shalt  }
0x64: {  	_ =	shalt  }
0x65: {  	_ =	shalt  }
0x66: {  	_ =	shalt  }
0x67: {  	_ =	shalt  }
0x68: {  	_ =	shalt  }
0x69: {  	_ =	shalt  }
0x6a: {  	_ =	shalt  }
0x6b: {  	_ =	shalt  }
0x6c: {  	_ =	shalt  }
0x6d: {  	_ =	shalt  }
0x6e: {  	_ =	shalt  }
0x6f: {  	_ =	shalt  }
0x70: {  	_ =	shalt  }
0x71: {  	_ =	shalt  }
0x72: {  	_ =	shalt  }
0x73: {  	_ =	shalt  }
0x74: {  	_ =	shalt  }
0x75: {  	_ =	shalt  }
0x76: {  	_ =	shalt  }
0x77: {  	_ =	shalt  }
0x78: {  	_ =	shalt  }
0x79: {  	_ =	shalt  }
0x7a: {  	_ =	shalt  }
0x7b: {  	_ =	shalt  }
0x7c: {  	_ =	shalt  }
0x7d: {  	_ =	shalt  }
0x7e: {  	_ =	shalt  }
0x7f: {  	_ =	shalt  }
0x80: {  	_ =	shalt  }
0x81: {  	_ =	shalt  }
0x82: {  	_ =	shalt  }
0x83: {  	_ =	shalt  }
0x84: {  	_ =	shalt  }
0x85: {  	_ =	shalt  }
0x86: {  	_ =	shalt  }
0x87: {  	_ =	shalt  }
.Lfunc_end0:
.L_simem_size_0:
called_computation_lowered:
.L_overlay_start_0:
0x88: {  	s2 =	sld [smem:$0x3FD9]  }
0x89: {  	s3 =	sld [smem:$0x3FFE];
	_ =	sdelay $0x1  }
0x8a: {  	s1 =	srdreg.scid  }
0x8b: {  	s0 =	sand.u32 $0x1, s1  }
0x8c: {  	s18 =	sshll.u32 s0, $0xA;
	s2 =	sadd.s32 s3, s2  }
0x8d: {  	s2 =	sadd.s32 s2, s18  }
0x8e: {  	[smem:$0x3FC0] =	sst s2  }
0x8f: {  	_ = 	snop  }
0x90: {  	s2 =	sld [smem:$0x3FD0];
	(tm) =	ssettm $0x1  }
0x91: {  	s19 =	sld [smem:$0x3FFB];
	_ =	sdelay $0x3  }
0x92: {  	_ =	strace s19  }
0x93: {  	s3 =	sld [smem:$0x3FFC];
	_ =	sdelay $0x3  }
0x94: {  	_ =	strace s3  }
0x95: {  	s3 =	sld [smem:$0x3FFD];
	_ =	sdelay $0x3  }
0x96: {  	_ =	strace s3  }
0x97: {  	_ =	strace $0x8FFFFFFF  }
0x98: {  	s20 =	sld [smem:$0x3FDB];
	_ =	sdelay $0x1  }
0x99: {  	s4 =	simm.s32 $_scs_section_size  }
0x9a: {  	s5 =	simm.s32 $_size__tile_overlayer_lowered;
	s6 =	simm.s32 $_tile_overlayer_lowered  }
0x9b: {  	s23 =	simm.s32 $0x1BFF;
	s22 =	sshll.u32 s6, $0x1;
	s3 =	sadd.s32 s4, s20  }
0x9c: {  	s7 =	simm.s32 $0x0;
	s21 =	sshll.u32 s5, $0x1;
	s5 =	sadd.s32 s22, s3  }
0x9d: {  	[timem:s7], [sflag:s23] =	dma.local [hbm:s5], s21  }
0x9e: {  	_ =	swait.ge [sflag:s23], s21  }
0x9f: {  	s4 =	ssub.s32 $0x0, s21;
	[sflag:s23] =	ssyncset.done $0x0  }
0xa0: {  	[sflag:s23] =	ssyncadd.s32 s4;
	_ =	sdelay $0x1  }
0xa1: {  	s24 =	simm.s32 $0x1B8B  }
0xa2: {  	_ =	swait.ge [sflag:s24], $0x1  }
0xa3: {  	[sflag:s24] =	ssyncset.done $0x0  }
0xa4: {  	s25 =	simm.s32 $0x1B8E;
	[sflag:s24] =	ssyncadd.s32 $0xFFFFFFFF  }
0xa5: {  	s26 =	simm.s32 $execute0_lowered;
	[smem:$0x3FD2] =	sst s25  }
0xa6: {  	s4 =	sshll.u32 s26, $0x1;
	_ =	strace $0x80000046;
	[dreg:$0x1] =	wrdreg $0xFFFFFFFF  }
0xa7: {  	s28 =	simm.s32 $_size_execute0_lowered;
	s3 =	sadd.s32 s3, s4;
	[dreg:$0x0] =	wrdreg $0x0  }
0xa8: {  	s4 =	sshll.u32 s28, $0x1;
	[dreg:$0x2] =	wrdreg s3  }
0xa9: {  	[dreg:$0x3] =	wrdreg s4  }
0xaa: {  	[dreg:$0x4] =	wrdreg $0xC0  }
0xab: {  	_ =	task [dreg:s7], $0x5FFFF  }
0xac: {  	[dreg:$0x1] =	wrdreg $0xFFFFFFFF  }
0xad: {  	[dreg:$0x0] =	wrdreg $0x60  }
0xae: {  	[dreg:$0x2] =	wrdreg s2  }
0xaf: {  	[dreg:$0x3] =	wrdreg $0x9  }
0xb0: {  	_ =	task.clear_ibuf [dreg:s7], $0x4FFFF;
	_ =	strace $0x90000046  }
0xb1: {  	s29 =	simm.s32 $0x9;
	_ =	strace $0x80000048  }
0xb2: {  	_ =	swait.ge [sflag:s29], $0x1  }
0xb3: {  	[sflag:s29] =	ssyncadd.s32 $0xFFFFFFFF  }
0xb4: {  	_ =	strace $0x90000048  }
0xb5: {  	_ =	sfence  }
0xb6: {  	s30 =	sld [smem:$0x0];
	_ =	sdelay $0x2  }
0xb7: {  	s31 =	sshll.u32 s1, $0xD;
	s1 =	sshrl.u32 s1, $0x2  }
0xb8: {  	s3 =	sand.u32 $0x4000, s31;
	s1 =	sadd.s32 s1, s30  }
0xb9: {  	s0 =	sor.u32 s3, s0;
	s1 =	sshll.u32 s1, $0x11  }
0xba: {  	s0 =	sor.u32 s1, s0  }
0xbb: {  	s0 =	sadd.s32 $0x8F2B, s0  }
0xbc: {  	[sflag:s0] =	ssyncadd.remote.s32 $0x1  }
0xbd: {  	_ =	sfence.sel $0xFFFF  }
0xbe: {  	[dreg:$0x0] =	wrdreg $0xFFFFFFFF;
	(pc) =	sbr.abs _section_cstart, $3  }
0xbf: {  	[dreg:$0x1] =	wrdreg $0xFFFFFFFF  }
0xc0: {  	_ =	task.clear_ibuf [dreg:s7], $0x2FFFF;
	_ =	strace $0x9FFFFFFF  }
0xc1: {  	(tm) =	ssettm $0x7FFFFFFF  }
tec
execute0_lowered:
.L_overlay_start_1:
0x0: {  	(tag) =	ssettag $0x1  }
0x1: {  	s1 =	srdreg.scid  }
0x2: {  	s0 =	stileid.u32;
	s11 =	rddreg [dreg:$0x0];
	s2 =	simm.s32 $0x0  }
0x3: {  	s15 =	simm.s32 $0x2;
	s9 =	sand.u32 $0x1, s1;
	s31 =	sshll.u32 s0, $0x1  }
0x4: {  	s1 =	rddreg [dreg:$0x1];
	s13 =	smul.u32 $0x32000, s0;
	s3 =	sor.u32 s9, s31  }
0x5: {  	s16 =	simm.s32 $0x0;
	[smem:$0x7FF] =	sst s2;
	s4 =	smul.u32 $0xC8000, s3  }
0x6: {  	s5 =	ssub.s32 $0x2, s9;
	_ =	strace $0x80000047;
	s3 =	smul.u32 $0x19000, s3  }
0x7: {  	s14 =	smul.u32 $0x19000, s9;
	s6 =	sshrl.u32 s5, $0x1;
	s13 =	sadd.s32 s13, s11  }
0x8: {  	s12 =	ssub.s32 s5, s6;
	s4 =	sshrl.u32 s4, $0x3;
	s3 =	sadd.s32 s11, s3  }
0x9: {  	s10 =	sadd.s32 s11, s4;
	s5 =	sadd.s32 $0x320000, s3;
	s7 =	sadd.s32 $0x640000, s3  }
0xa: {  	s9 =	sadd.s32 $0x960000, s3;
	s11 =	smax.u32 s12, $0x1;
	s12 =	sadd.s32 s14, s13  }
0xb: {  	s13 =	simm.s32 $0x4000;
	s4 =	sadd.s32 $0x18800, s10;
	s6 =	sadd.s32 $0x338800, s10  }
0xc: {  	s14 =	simm.s32 $0x1;
	s8 =	sadd.s32 $0x658800, s10;
	s10 =	sadd.s32 $0x978800, s10  }
.LBB2_1:
0xd: {  	[hbm4b:s3+s2] =	stream.linear.scatter [tilespmem:s2], [sflag:$0x1], $0x4000, $0x38;
	[tilespmem:$0x8000] =	vst v63  }
0xe: {  	s17 =	sadd.s32 $0xFFFE8000, s12  }
0xf: {  	s18 =	sadd.s32 $0x18800, s17  }
0x10: {  	[hbm4b:s18+s2] =	stream.linear.scatter [tilespmem:s13], [sflag:$0x2], $0x4000, $0x38;
	[tilespmem:$0x8000] =	vst v63  }
0x11: {  	_ =	swait.ge [sflag:s14], $0x4000  }
0x12: {  	[sflag:s14] =	ssyncset.done $0x0  }
0x13: {  	s17 =	sadd.s32 $0x19000, s17;
	[sflag:s14] =	ssyncadd.s32 $0xFFFFC000  }
0x14: {  	[hbm4b:s17+s2] =	stream.linear.scatter [tilespmem:s2], [sflag:$0x1], $0x4000, $0x38;
	[tilespmem:$0x8000] =	vst v63  }
0x15: {  	_ =	swait.ge [sflag:s15], $0x4000  }
0x16: {  	s18 =	simm.s32 $0xFFFEA000;
	s17 =	sadd.s32 $0xFFFE9000, s12;
	[sflag:s15] =	ssyncset.done $0x0  }
.LBB2_2:
0x17: {  	s19 =	sadd.s32 $0x18800, s17  }
0x18: {  	[sflag:s15] =	ssyncadd.s32 $0xFFFFC000;
	s20 =	smov.u32 s18;
	s21 =	sadd.s32 $0x1000, s18  }
0x19: {  	[hbm4b:s19+s2] =	stream.linear.scatter [tilespmem:s13], [sflag:$0x2], $0x4000, $0x38;
	[tilespmem:$0x8000] =	vst v63  }
0x1a: {  	p0 =	sne.s32 s18, $0xFFFFF000;
	_ =	swait.ge [sflag:s14], $0x4000  }
.Ltmp0:
0x1b: {  	[sflag:s14] =	ssyncset.done $0x0;
	(pc) =	sbr.rel @p0 .LBB2_2-.Ltmp0, $4  }
0x1c: {  	s17 =	sadd.s32 $0x19000, s17;
	[sflag:s14] =	ssyncadd.s32 $0xFFFFC000  }
0x1d: {  	[hbm4b:s17+s2] =	stream.linear.scatter [tilespmem:s2], [sflag:$0x1], $0x4000, $0x38;
	[tilespmem:$0x8000] =	vst v63  }
0x1e: {  	_ =	swait.ge [sflag:s15], $0x4000  }
0x1f: {  	s18 =	smov.u32 s21;
	s17 =	sadd.s32 s20, s12;
	[sflag:s15] =	ssyncset.done $0x0  }
0x20: {  	s18 =	sadd.s32 $0x18800, s17;
	[sflag:s15] =	ssyncadd.s32 $0xFFFFC000  }
0x21: {  	[hbm4b:s18+s2] =	stream.linear.scatter [tilespmem:s13], [sflag:$0x2], $0x4000, $0x38;
	[tilespmem:$0x8000] =	vst v63  }
0x22: {  	_ =	swait.ge [sflag:s14], $0x4000  }
0x23: {  	[sflag:s14] =	ssyncset.done $0x0  }
0x24: {  	s29 =	sadd.s32 $0x19000, s17;
	[sflag:s14] =	ssyncadd.s32 $0xFFFFC000  }
0x25: {  	[hbm4b:s29+s2] =	stream.linear.scatter [tilespmem:s2], [sflag:$0x1], $0x4000, $0x38;
	[tilespmem:$0x8000] =	vst v63  }
0x26: {  	_ =	swait.ge [sflag:s15], $0x4000  }
0x27: {  	[sflag:s15] =	ssyncset.done $0x0  }
0x28: {  	[sflag:s15] =	ssyncadd.s32 $0xFFFFC000  }
0x29: {  	[hbm4b:s4+s2] =	stream.linear.scatter [tilespmem:s13], [sflag:$0x2], $0x4000, $0x38;
	[tilespmem:$0x8000] =	vst v63  }
0x2a: {  	_ =	swait.ge [sflag:s14], $0x4000  }
0x2b: {  	[sflag:s14] =	ssyncset.done $0x0  }
0x2c: {  	[sflag:s14] =	ssyncadd.s32 $0xFFFFC000  }
0x2d: {  	_ =	swait.ge [sflag:s15], $0x4000  }
0x2e: {  	[sflag:s15] =	ssyncset.done $0x0  }
0x2f: {  	s30 =	sadd.s32 $0xFFFE8000, s12;
	[sflag:s15] =	ssyncadd.s32 $0xFFFFC000  }
0x30: {  	[hbm4b:s5+s2] =	stream.linear.scatter [tilespmem:s2], [sflag:$0x1], $0x4000, $0x38;
	[tilespmem:$0x8000] =	vst v63  }
0x31: {  	s31 =	sadd.s32 $0x338800, s30  }
0x32: {  	[hbm4b:s31+s2] =	stream.linear.scatter [tilespmem:s13], [sflag:$0x2], $0x4000, $0x38;
	[tilespmem:$0x8000] =	vst v63  }
0x33: {  	_ =	swait.ge [sflag:s14], $0x4000  }
0x34: {  	[sflag:s14] =	ssyncset.done $0x0  }
0x35: {  	s17 =	sadd.s32 $0x339000, s30;
	[sflag:s14] =	ssyncadd.s32 $0xFFFFC000  }
0x36: {  	[hbm4b:s17+s2] =	stream.linear.scatter [tilespmem:s2], [sflag:$0x1], $0x4000, $0x38;
	[tilespmem:$0x8000] =	vst v63  }
0x37: {  	_ =	swait.ge [sflag:s15], $0x4000  }
0x38: {  	s18 =	simm.s32 $0xFFFEA000;
	s17 =	sadd.s32 $0xFFFE9000, s12;
	[sflag:s15] =	ssyncset.done $0x0  }
.LBB2_4:
0x39: {  	s19 =	sadd.s32 $0x338800, s17  }
0x3a: {  	[sflag:s15] =	ssyncadd.s32 $0xFFFFC000;
	s20 =	smov.u32 s18;
	s21 =	sadd.s32 $0x1000, s18  }
0x3b: {  	[hbm4b:s19+s2] =	stream.linear.scatter [tilespmem:s13], [sflag:$0x2], $0x4000, $0x38;
	[tilespmem:$0x8000] =	vst v63  }
0x3c: {  	p0 =	sne.s32 s18, $0xFFFFF000;
	_ =	swait.ge [sflag:s14], $0x4000  }
.Ltmp1:
0x3d: {  	[sflag:s14] =	ssyncset.done $0x0;
	(pc) =	sbr.rel @p0 .LBB2_4-.Ltmp1, $4  }
0x3e: {  	s17 =	sadd.s32 $0x339000, s17;
	[sflag:s14] =	ssyncadd.s32 $0xFFFFC000  }
0x3f: {  	[hbm4b:s17+s2] =	stream.linear.scatter [tilespmem:s2], [sflag:$0x1], $0x4000, $0x38;
	[tilespmem:$0x8000] =	vst v63  }
0x40: {  	_ =	swait.ge [sflag:s15], $0x4000  }
0x41: {  	s18 =	smov.u32 s21;
	s17 =	sadd.s32 s20, s12;
	[sflag:s15] =	ssyncset.done $0x0  }
0x42: {  	s18 =	sadd.s32 $0x338800, s17;
	[sflag:s15] =	ssyncadd.s32 $0xFFFFC000  }
0x43: {  	[hbm4b:s18+s2] =	stream.linear.scatter [tilespmem:s13], [sflag:$0x2], $0x4000, $0x38;
	[tilespmem:$0x8000] =	vst v63  }
0x44: {  	_ =	swait.ge [sflag:s14], $0x4000  }
0x45: {  	[sflag:s14] =	ssyncset.done $0x0  }
0x46: {  	s29 =	sadd.s32 $0x339000, s17;
	[sflag:s14] =	ssyncadd.s32 $0xFFFFC000  }
0x47: {  	[hbm4b:s29+s2] =	stream.linear.scatter [tilespmem:s2], [sflag:$0x1], $0x4000, $0x38;
	[tilespmem:$0x8000] =	vst v63  }
0x48: {  	_ =	swait.ge [sflag:s15], $0x4000  }
0x49: {  	[sflag:s15] =	ssyncset.done $0x0  }
0x4a: {  	[sflag:s15] =	ssyncadd.s32 $0xFFFFC000  }
0x4b: {  	[hbm4b:s6+s2] =	stream.linear.scatter [tilespmem:s13], [sflag:$0x2], $0x4000, $0x38;
	[tilespmem:$0x8000] =	vst v63  }
0x4c: {  	_ =	swait.ge [sflag:s14], $0x4000  }
0x4d: {  	[sflag:s14] =	ssyncset.done $0x0  }
0x4e: {  	[sflag:s14] =	ssyncadd.s32 $0xFFFFC000  }
0x4f: {  	_ =	swait.ge [sflag:s15], $0x4000  }
0x50: {  	[sflag:s15] =	ssyncset.done $0x0  }
0x51: {  	s30 =	sadd.s32 $0xFFFE8000, s12;
	[sflag:s15] =	ssyncadd.s32 $0xFFFFC000  }
0x52: {  	[hbm4b:s7+s2] =	stream.linear.scatter [tilespmem:s2], [sflag:$0x1], $0x4000, $0x38;
	[tilespmem:$0x8000] =	vst v63  }
0x53: {  	s31 =	sadd.s32 $0x658800, s30  }
0x54: {  	[hbm4b:s31+s2] =	stream.linear.scatter [tilespmem:s13], [sflag:$0x2], $0x4000, $0x38;
	[tilespmem:$0x8000] =	vst v63  }
0x55: {  	_ =	swait.ge [sflag:s14], $0x4000  }
0x56: {  	[sflag:s14] =	ssyncset.done $0x0  }
0x57: {  	s17 =	sadd.s32 $0x659000, s30;
	[sflag:s14] =	ssyncadd.s32 $0xFFFFC000  }
0x58: {  	[hbm4b:s17+s2] =	stream.linear.scatter [tilespmem:s2], [sflag:$0x1], $0x4000, $0x38;
	[tilespmem:$0x8000] =	vst v63  }
0x59: {  	_ =	swait.ge [sflag:s15], $0x4000  }
0x5a: {  	s18 =	simm.s32 $0xFFFEA000;
	s17 =	sadd.s32 $0xFFFE9000, s12;
	[sflag:s15] =	ssyncset.done $0x0  }
.LBB2_6:
0x5b: {  	s19 =	sadd.s32 $0x658800, s17  }
0x5c: {  	[sflag:s15] =	ssyncadd.s32 $0xFFFFC000;
	s20 =	smov.u32 s18;
	s21 =	sadd.s32 $0x1000, s18  }
0x5d: {  	[hbm4b:s19+s2] =	stream.linear.scatter [tilespmem:s13], [sflag:$0x2], $0x4000, $0x38;
	[tilespmem:$0x8000] =	vst v63  }
0x5e: {  	p0 =	sne.s32 s18, $0xFFFFF000;
	_ =	swait.ge [sflag:s14], $0x4000  }
.Ltmp2:
0x5f: {  	[sflag:s14] =	ssyncset.done $0x0;
	(pc) =	sbr.rel @p0 .LBB2_6-.Ltmp2, $4  }
0x60: {  	s17 =	sadd.s32 $0x659000, s17;
	[sflag:s14] =	ssyncadd.s32 $0xFFFFC000  }
0x61: {  	[hbm4b:s17+s2] =	stream.linear.scatter [tilespmem:s2], [sflag:$0x1], $0x4000, $0x38;
	[tilespmem:$0x8000] =	vst v63  }
0x62: {  	_ =	swait.ge [sflag:s15], $0x4000  }
0x63: {  	s18 =	smov.u32 s21;
	s17 =	sadd.s32 s20, s12;
	[sflag:s15] =	ssyncset.done $0x0  }
0x64: {  	s18 =	sadd.s32 $0x658800, s17;
	[sflag:s15] =	ssyncadd.s32 $0xFFFFC000  }
0x65: {  	[hbm4b:s18+s2] =	stream.linear.scatter [tilespmem:s13], [sflag:$0x2], $0x4000, $0x38;
	[tilespmem:$0x8000] =	vst v63  }
0x66: {  	_ =	swait.ge [sflag:s14], $0x4000  }
0x67: {  	[sflag:s14] =	ssyncset.done $0x0  }
0x68: {  	s29 =	sadd.s32 $0x659000, s17;
	[sflag:s14] =	ssyncadd.s32 $0xFFFFC000  }
0x69: {  	[hbm4b:s29+s2] =	stream.linear.scatter [tilespmem:s2], [sflag:$0x1], $0x4000, $0x38;
	[tilespmem:$0x8000] =	vst v63  }
0x6a: {  	_ =	swait.ge [sflag:s15], $0x4000  }
0x6b: {  	[sflag:s15] =	ssyncset.done $0x0  }
0x6c: {  	[sflag:s15] =	ssyncadd.s32 $0xFFFFC000  }
0x6d: {  	[hbm4b:s8+s2] =	stream.linear.scatter [tilespmem:s13], [sflag:$0x2], $0x4000, $0x38;
	[tilespmem:$0x8000] =	vst v63  }
0x6e: {  	_ =	swait.ge [sflag:s14], $0x4000  }
0x6f: {  	[sflag:s14] =	ssyncset.done $0x0  }
0x70: {  	[sflag:s14] =	ssyncadd.s32 $0xFFFFC000  }
0x71: {  	_ =	swait.ge [sflag:s15], $0x4000  }
0x72: {  	[sflag:s15] =	ssyncset.done $0x0  }
0x73: {  	s30 =	sadd.s32 $0xFFFE8000, s12;
	[sflag:s15] =	ssyncadd.s32 $0xFFFFC000  }
0x74: {  	[hbm4b:s9+s2] =	stream.linear.scatter [tilespmem:s2], [sflag:$0x1], $0x4000, $0x38;
	[tilespmem:$0x8000] =	vst v63  }
0x75: {  	s31 =	sadd.s32 $0x978800, s30  }
0x76: {  	[hbm4b:s31+s2] =	stream.linear.scatter [tilespmem:s13], [sflag:$0x2], $0x4000, $0x38;
	[tilespmem:$0x8000] =	vst v63  }
0x77: {  	_ =	swait.ge [sflag:s14], $0x4000  }
0x78: {  	[sflag:s14] =	ssyncset.done $0x0  }
0x79: {  	s17 =	sadd.s32 $0x979000, s30;
	[sflag:s14] =	ssyncadd.s32 $0xFFFFC000  }
0x7a: {  	[hbm4b:s17+s2] =	stream.linear.scatter [tilespmem:s2], [sflag:$0x1], $0x4000, $0x38;
	[tilespmem:$0x8000] =	vst v63  }
0x7b: {  	_ =	swait.ge [sflag:s15], $0x4000  }
0x7c: {  	s18 =	simm.s32 $0xFFFEA000;
	s17 =	sadd.s32 $0xFFFE9000, s12;
	[sflag:s15] =	ssyncset.done $0x0  }
.LBB2_8:
0x7d: {  	s19 =	sadd.s32 $0x978800, s17  }
0x7e: {  	[sflag:s15] =	ssyncadd.s32 $0xFFFFC000;
	s20 =	smov.u32 s18;
	s21 =	sadd.s32 $0x1000, s18  }
0x7f: {  	[hbm4b:s19+s2] =	stream.linear.scatter [tilespmem:s13], [sflag:$0x2], $0x4000, $0x38;
	[tilespmem:$0x8000] =	vst v63  }
0x80: {  	p0 =	sne.s32 s18, $0xFFFFF000;
	_ =	swait.ge [sflag:s14], $0x4000  }
.Ltmp3:
0x81: {  	[sflag:s14] =	ssyncset.done $0x0;
	(pc) =	sbr.rel @p0 .LBB2_8-.Ltmp3, $4  }
0x82: {  	s17 =	sadd.s32 $0x979000, s17;
	[sflag:s14] =	ssyncadd.s32 $0xFFFFC000  }
0x83: {  	[hbm4b:s17+s2] =	stream.linear.scatter [tilespmem:s2], [sflag:$0x1], $0x4000, $0x38;
	[tilespmem:$0x8000] =	vst v63  }
0x84: {  	_ =	swait.ge [sflag:s15], $0x4000  }
0x85: {  	s18 =	smov.u32 s21;
	s17 =	sadd.s32 s20, s12;
	[sflag:s15] =	ssyncset.done $0x0  }
0x86: {  	s18 =	sadd.s32 $0x978800, s17;
	[sflag:s15] =	ssyncadd.s32 $0xFFFFC000  }
0x87: {  	[hbm4b:s18+s2] =	stream.linear.scatter [tilespmem:s13], [sflag:$0x2], $0x4000, $0x38;
	[tilespmem:$0x8000] =	vst v63  }
0x88: {  	_ =	swait.ge [sflag:s14], $0x4000  }
0x89: {  	[sflag:s14] =	ssyncset.done $0x0  }
0x8a: {  	s31 =	sadd.s32 $0x979000, s17;
	[sflag:s14] =	ssyncadd.s32 $0xFFFFC000  }
0x8b: {  	[hbm4b:s31+s2] =	stream.linear.scatter [tilespmem:s2], [sflag:$0x1], $0x4000, $0x38;
	[tilespmem:$0x8000] =	vst v63  }
0x8c: {  	_ =	swait.ge [sflag:s15], $0x4000  }
0x8d: {  	[sflag:s15] =	ssyncset.done $0x0  }
0x8e: {  	s16 =	sadd.s32 $0x1, s16;
	[sflag:s15] =	ssyncadd.s32 $0xFFFFC000  }
0x8f: {  	[hbm4b:s10+s2] =	stream.linear.scatter [tilespmem:s13], [sflag:$0x2], $0x4000, $0x38;
	[tilespmem:$0x8000] =	vst v63  }
0x90: {  	p0 =	sne.s32 s16, s11;
	_ =	swait.ge [sflag:s14], $0x4000  }
.Ltmp4:
0x91: {  	[sflag:s14] =	ssyncset.done $0x0;
	(pc) =	sbr.rel @p0 .LBB2_1-.Ltmp4, $4  }
0x92: {  	[sflag:s14] =	ssyncadd.s32 $0xFFFFC000  }
0x93: {  	_ =	swait.ge [sflag:s15], $0x4000  }
0x94: {  	[sflag:s15] =	ssyncset.done $0x0  }
0x95: {  	[sflag:s15] =	ssyncadd.s32 $0xFFFFC000  }
0x96: {  	_ =	sfence.sel $0x180000  }
0x97: {  	[bflag:$0x0] =	sbarrier.arrive $0xFFFF  }
0x98: {  	p0 =	sne.s32 s0, $0x0;
	_ =	strace $0x90000047  }
0x99: {  	s0 =	sadd.s32 @!p0 $0x100000, s1;
	[bflag:$0x2] =	sbarrier.arrive $0xFFFF  }
0x9a: {  	[sflag:s0] =	ssyncadd.tile.s32 @!p0 $0x1;
	_ =	shalt  }
.Lfunc_end2:
_tile_overlayer_lowered:
.L_overlay_start_2:
0x9b: {  	(tag) =	ssettag $0x2  }
0x9c: {  	s0 =	rddreg [dreg:$0x0];
	s2 =	stileid.u32  }
0x9d: {  	s1 =	rddreg [dreg:$0x1];
	p0 =	sne.s32 s2, $0x0  }
0x9e: {  	s3 =	rddreg [dreg:$0x2];
	[bflag:$0x3] =	sbarrier.arrive $0xFFFF;
	s2 =	simm.s32 @!p0 $0x1C03  }
0x9f: {  	[timem:s3], [sflag:s2] =	dma.local @!p0 [hbm:s0], s1  }
0xa0: {  	s0 =	simm.s32 @!p0 $0x3  }
0xa1: {  	_ =	swait.ge @!p0 [sflag:s0], s1  }
0xa2: {  	s1 =	ssub.s32 @!p0 $0x0, s1;
	[sflag:s0] =	ssyncset.done @!p0 $0x0  }
0xa3: {  	[sflag:s0] =	ssyncadd.s32 @!p0 s1  }
0xa4: {  	[bflag:$0x3] =	sbarrier.arrive $0xFFFF  }
0xa5: {  	_ =	shalt  }

</sc_bundles>
